<compile_context>
chip_gen: v7x
topology: tpu7x:2x2x1
jax: 0.10.2.dev20260603
libtpu: 0.0.44.dev20260713+nightly
codegen_flags: <defaults>
</compile_context>

<pallas_src>
import jax
import jax.numpy as jnp
from jax.experimental import pallas as pl

B = 1024
F = 100
V = 100
D = 32

BI = 128
BC = 2048


def _stats_kernel(x_ref, table_ref, lw_ref, cross_ref, lin_ref):
    x = x_ref[...]
    xf = x.astype(jnp.float32)
    lw = lw_ref[...]
    lin_ref[...] = 0.5 * jnp.sum(xf * lw, axis=1, keepdims=True)

    vals = jax.lax.broadcasted_iota(jnp.int32, (1, 1, V), 2)
    cmp = (x[:, :, None] == vals).astype(jnp.float32)
    counts = jnp.sum(cmp, axis=1)
    t = table_ref[...]
    cw = counts[:, :, None] * t[None, :, :]
    s = jnp.sum(cw, axis=1)
    ss = jnp.sum(cw * t[None, :, :], axis=1)
    cross_ref[...] = 0.25 * (s * s - ss)

def _outer_sigmoid_kernel(cross_rep_ref, lin_rep_ref, out_ref):
    h = cross_rep_ref[...] + lin_rep_ref[...]
    out_ref[...] = 0.5 * jnp.tanh(h) + 0.5


def kernel(x, table, linear_weights):
    lw2 = linear_weights.reshape(1, F)

    cross, lin = pl.pallas_call(
        _stats_kernel,
        grid=(B // BI,),
        in_specs=[
            pl.BlockSpec((BI, F), lambda i: (i, 0)),
            pl.BlockSpec((V, D), lambda i: (0, 0)),
            pl.BlockSpec((1, F), lambda i: (0, 0)),
        ],
        out_specs=[
            pl.BlockSpec((BI, D), lambda i: (i, 0)),
            pl.BlockSpec((BI, 1), lambda i: (i, 0)),
        ],
        out_shape=[
            jax.ShapeDtypeStruct((B, D), jnp.float32),
            jax.ShapeDtypeStruct((B, 1), jnp.float32),
        ],
    )(x, table, lw2)

    cross_rep = jnp.tile(cross, (1, BC // D))
    lin_rep = jnp.repeat(lin[:, 0], D).reshape(1, B * D)

    out2 = pl.pallas_call(
        _outer_sigmoid_kernel,
        grid=(B * D // BC,),
        in_specs=[
            pl.BlockSpec((B, BC), lambda j: (0, 0)),
            pl.BlockSpec((1, BC), lambda j: (0, j)),
        ],
        out_specs=pl.BlockSpec((B, BC), lambda j: (0, j)),
        out_shape=jax.ShapeDtypeStruct((B, B * D), jnp.float32),
    )(cross_rep, lin_rep)

    return out2.reshape(B, B, D)

# --- scband reference (transcript-rebuilt; emitter-appended) ---
"""Pipeline reference for scband-fm-60430189854989 (READ-ONLY COPY).

The authoritative reference and input builder live on the scoring server;
editing this copy changes nothing except your own understanding.
"""

import jax, jax.numpy as jnp
import numpy as np


def setup_inputs(seed: int = 0) -> dict:
    key = jax.random.key(seed)
    k1, k2, k3 = jax.random.split(key, 3)
    x = jax.random.randint(k1, (1024, 100), 0, 100)
    table = jax.random.normal(k2, (100, 32), dtype=jnp.float32)
    linear_weights = jax.random.normal(k3, (100,), dtype=jnp.float32)
    return {"x": x, "table": table, "linear_weights": linear_weights}


def reference(x, table, linear_weights):
    # linear part: elementwise multiply of float weights with integer feature ids (faithful to torch code)
    linear_part = jnp.sum(linear_weights * x, axis=1, keepdims=True)  # [B, 1]
    # embedding lookup: gather rows of table by x -> [B, F, D]
    embeddings = jnp.take(table, x, axis=0)
    square_of_sum = jnp.sum(embeddings, axis=1, keepdims=True) ** 2  # [B, 1, D]
    sum_of_square = jnp.sum(embeddings ** 2, axis=1, keepdims=True)  # [B, 1, D]
    cross_part = 0.5 * (square_of_sum - sum_of_square)  # [B, 1, D]
    # NOTE: torch broadcasting of [B,1] + [B,1,D] yields [B,B,D]; numpy/jax follows the same rule,
    # so adding directly is faithful to the original module.
    total = linear_part + cross_part  # [B, B, D]
    return jax.nn.sigmoid(total)

if __name__ == "__main__":
    import jax
    _d = setup_inputs()
    print(jax.jit(kernel)(*tuple(_d.values())))

</pallas_src>

<mosaic_0001>
module attributes {stable_mosaic.version = 14 : i64} {
  func.func @_stats_kernel(%arg0: i32, %arg1: memref<128x100xi32, #tpu.memory_space<vmem>>, %arg2: memref<100x32xf32, #tpu.memory_space<vmem>>, %arg3: memref<1x100xf32, #tpu.memory_space<vmem>>, %arg4: memref<128x32xf32, #tpu.memory_space<vmem>>, %arg5: memref<128x1xf32, #tpu.memory_space<vmem>>) attributes {dimension_semantics = [#tpu.dimension_semantics<arbitrary>], iteration_bounds = array<i64: 8>, scalar_prefetch = 0 : i64, scratch_operands = 0 : i64, tpu.core_type = #tpu.core_type<tc>, window_params = [{transform_indices = @transform_0, window_bounds = array<i64: 128, 100>}, {pipeline_mode = #tpu.pipeline_mode<synchronous>, transform_indices = @transform_1, window_bounds = array<i64: 100, 32>}, {pipeline_mode = #tpu.pipeline_mode<synchronous>, transform_indices = @transform_2, window_bounds = array<i64: 1, 100>}, {transform_indices = @transform_3, window_bounds = array<i64: 128, 32>}, {transform_indices = @transform_4, window_bounds = array<i64: 128, 1>}]} {
    %get3A = arith.constant 0 : index
    %get3A_0 = arith.constant 0 : index
    %get3A_1 = vector.load %arg1[%get3A, %get3A_0] : memref<128x100xi32, #tpu.memory_space<vmem>>, vector<128x100xi32>
    %convert_element_type3A = arith.sitofp %get3A_1 : vector<128x100xi32> to vector<128x100xf32>
    %get3A_2 = arith.constant 0 : index
    %get3A_3 = arith.constant 0 : index
    %get3A_4 = vector.load %arg3[%get3A_2, %get3A_3] : memref<1x100xf32, #tpu.memory_space<vmem>>, vector<1x100xf32>
    %mul3A = vector.broadcast %get3A_4 : vector<1x100xf32> to vector<128x100xf32>
    %mul3A_5 = arith.mulf %convert_element_type3A, %mul3A : vector<128x100xf32>
    %reduce_sum3A = arith.constant dense<0.000000e+00> : vector<128xf32>
    %reduce_sum3A_6 = vector.multi_reduction <add>, %mul3A_5, %reduce_sum3A [1] : vector<128x100xf32> to vector<128xf32>
    %broadcast_in_dim3A = vector.shape_cast %reduce_sum3A_6 : vector<128xf32> to vector<128x1xf32>
    %mul3A_7 = arith.constant 5.000000e-01 : f32
    %mul3A_8 = vector.broadcast %mul3A_7 : f32 to vector<128x1xf32>
    %mul3A_9 = arith.mulf %mul3A_8, %broadcast_in_dim3A : vector<128x1xf32>
    %swap3A = arith.constant 0 : index
    %swap3A_10 = arith.constant 0 : index
    %swap3A_11 = vector.load %arg5[%swap3A, %swap3A_10] : memref<128x1xf32, #tpu.memory_space<vmem>>, vector<128x1xf32>
    tpu.vector_store %arg5[%swap3A, %swap3A_10], %mul3A_9 {strides = array<i32>} : memref<128x1xf32, #tpu.memory_space<vmem>>, vector<128x1xf32>,
    %iota3A = tpu.iota {dimensions = array<i32: 2>} : vector<1x1x100xi32>
    %broadcast_in_dim3A_12 = vector.shape_cast %get3A_1 : vector<128x100xi32> to vector<128x100x1xi32>
    %eq3A = vector.broadcast %broadcast_in_dim3A_12 : vector<128x100x1xi32> to vector<128x100x100xi32>
    %eq3A_13 = vector.broadcast %iota3A : vector<1x1x100xi32> to vector<128x100x100xi32>
    %eq3A_14 = arith.cmpi eq, %eq3A, %eq3A_13 : vector<128x100x100xi32>
    %convert_element_type3A_15 = arith.extui %eq3A_14 : vector<128x100x100xi1> to vector<128x100x100xi32>
    %convert_element_type3A_16 = arith.sitofp %convert_element_type3A_15 : vector<128x100x100xi32> to vector<128x100x100xf32>
    %reduce_sum3A_17 = arith.constant dense<0.000000e+00> : vector<128x100xf32>
    %reduce_sum3A_18 = vector.multi_reduction <add>, %convert_element_type3A_16, %reduce_sum3A_17 [1] : vector<128x100x100xf32> to vector<128x100xf32>
    %get3A_19 = arith.constant 0 : index
    %get3A_20 = arith.constant 0 : index
    %get3A_21 = vector.load %arg2[%get3A_19, %get3A_20] : memref<100x32xf32, #tpu.memory_space<vmem>>, vector<100x32xf32>
    %broadcast_in_dim3A_22 = vector.shape_cast %reduce_sum3A_18 : vector<128x100xf32> to vector<128x100x1xf32>
    %broadcast_in_dim3A_23 = vector.shape_cast %get3A_21 : vector<100x32xf32> to vector<1x100x32xf32>
    %mul3A_24 = vector.broadcast %broadcast_in_dim3A_22 : vector<128x100x1xf32> to vector<128x100x32xf32>
    %mul3A_25 = vector.broadcast %broadcast_in_dim3A_23 : vector<1x100x32xf32> to vector<128x100x32xf32>
    %mul3A_26 = arith.mulf %mul3A_24, %mul3A_25 : vector<128x100x32xf32>
    %reduce_sum3A_27 = arith.constant dense<0.000000e+00> : vector<128x32xf32>
    %reduce_sum3A_28 = vector.multi_reduction <add>, %mul3A_26, %reduce_sum3A_27 [1] : vector<128x100x32xf32> to vector<128x32xf32>
    %broadcast_in_dim3A_29 = vector.shape_cast %get3A_21 : vector<100x32xf32> to vector<1x100x32xf32>
    %mul3A_30 = vector.broadcast %broadcast_in_dim3A_29 : vector<1x100x32xf32> to vector<128x100x32xf32>
    %mul3A_31 = arith.mulf %mul3A_26, %mul3A_30 : vector<128x100x32xf32>
    %reduce_sum3A_32 = arith.constant dense<0.000000e+00> : vector<128x32xf32>
    %reduce_sum3A_33 = vector.multi_reduction <add>, %mul3A_31, %reduce_sum3A_32 [1] : vector<128x100x32xf32> to vector<128x32xf32>
    %mul3A_34 = arith.mulf %reduce_sum3A_28, %reduce_sum3A_28 : vector<128x32xf32>
    %sub3A = arith.subf %mul3A_34, %reduce_sum3A_33 : vector<128x32xf32>
    %mul3A_35 = arith.constant 2.500000e-01 : f32
    %mul3A_36 = vector.broadcast %mul3A_35 : f32 to vector<128x32xf32>
    %mul3A_37 = arith.mulf %mul3A_36, %sub3A : vector<128x32xf32>
    %swap3A_38 = arith.constant 0 : index
    %swap3A_39 = arith.constant 0 : index
    %swap3A_40 = vector.load %arg4[%swap3A_38, %swap3A_39] : memref<128x32xf32, #tpu.memory_space<vmem>>, vector<128x32xf32>
    tpu.vector_store %arg4[%swap3A_38, %swap3A_39], %mul3A_37 {strides = array<i32>} : memref<128x32xf32, #tpu.memory_space<vmem>>, vector<128x32xf32>,
    return
  }
  func.func @transform_0(%arg0: i32) -> (i32, i32) {
    %c0_i32 = arith.constant 0 : i32
    %c0_i32_0 = arith.constant 0 : i32
    return %arg0, %c0_i32 : i32, i32
  }
  func.func @transform_1(%arg0: i32) -> (i32, i32) {
    %c0_i32 = arith.constant 0 : i32
    %c0_i32_0 = arith.constant 0 : i32
    %c0_i32_1 = arith.constant 0 : i32
    return %c0_i32, %c0_i32_0 : i32, i32
  }
  func.func @transform_2(%arg0: i32) -> (i32, i32) {
    %c0_i32 = arith.constant 0 : i32
    %c0_i32_0 = arith.constant 0 : i32
    %c0_i32_1 = arith.constant 0 : i32
    return %c0_i32, %c0_i32_0 : i32, i32
  }
  func.func @transform_3(%arg0: i32) -> (i32, i32) {
    %c0_i32 = arith.constant 0 : i32
    %c0_i32_0 = arith.constant 0 : i32
    return %arg0, %c0_i32 : i32, i32
  }
  func.func @transform_4(%arg0: i32) -> (i32, i32) {
    %c0_i32 = arith.constant 0 : i32
    %c0_i32_0 = arith.constant 0 : i32
    return %arg0, %c0_i32 : i32, i32
  }
}

module attributes {stable_mosaic.version = 14 : i64} {
  func.func @_outer_sigmoid_kernel(%arg0: i32, %arg1: memref<1024x2048xf32, #tpu.memory_space<vmem>>, %arg2: memref<1x2048xf32, #tpu.memory_space<vmem>>, %arg3: memref<1024x2048xf32, #tpu.memory_space<vmem>>) attributes {dimension_semantics = [#tpu.dimension_semantics<arbitrary>], iteration_bounds = array<i64: 16>, scalar_prefetch = 0 : i64, scratch_operands = 0 : i64, tpu.core_type = #tpu.core_type<tc>, window_params = [{pipeline_mode = #tpu.pipeline_mode<synchronous>, transform_indices = @transform_0, window_bounds = array<i64: 1024, 2048>}, {transform_indices = @transform_1, window_bounds = array<i64: 1, 2048>}, {transform_indices = @transform_2, window_bounds = array<i64: 1024, 2048>}]} {
    %get3A = arith.constant 0 : index
    %get3A_0 = arith.constant 0 : index
    %get3A_1 = vector.load %arg1[%get3A, %get3A_0] : memref<1024x2048xf32, #tpu.memory_space<vmem>>, vector<1024x2048xf32>
    %get3A_2 = arith.constant 0 : index
    %get3A_3 = arith.constant 0 : index
    %get3A_4 = vector.load %arg2[%get3A_2, %get3A_3] : memref<1x2048xf32, #tpu.memory_space<vmem>>, vector<1x2048xf32>
    %add3A = vector.broadcast %get3A_4 : vector<1x2048xf32> to vector<1024x2048xf32>
    %add3A_5 = arith.addf %get3A_1, %add3A : vector<1024x2048xf32>
    %tanh3A = math.tanh %add3A_5 : vector<1024x2048xf32>
    %mul3A = arith.constant 5.000000e-01 : f32
    %mul3A_6 = vector.broadcast %mul3A : f32 to vector<1024x2048xf32>
    %mul3A_7 = arith.mulf %mul3A_6, %tanh3A : vector<1024x2048xf32>
    %add3A_8 = arith.constant 5.000000e-01 : f32
    %add3A_9 = vector.broadcast %add3A_8 : f32 to vector<1024x2048xf32>
    %add3A_10 = arith.addf %mul3A_7, %add3A_9 : vector<1024x2048xf32>
    %swap3A = arith.constant 0 : index
    %swap3A_11 = arith.constant 0 : index
    %swap3A_12 = vector.load %arg3[%swap3A, %swap3A_11] : memref<1024x2048xf32, #tpu.memory_space<vmem>>, vector<1024x2048xf32>
    tpu.vector_store %arg3[%swap3A, %swap3A_11], %add3A_10 {strides = array<i32>} : memref<1024x2048xf32, #tpu.memory_space<vmem>>, vector<1024x2048xf32>,
    return
  }
  func.func @transform_0(%arg0: i32) -> (i32, i32) {
    %c0_i32 = arith.constant 0 : i32
    %c0_i32_0 = arith.constant 0 : i32
    %c0_i32_1 = arith.constant 0 : i32
    return %c0_i32, %c0_i32_0 : i32, i32
  }
  func.func @transform_1(%arg0: i32) -> (i32, i32) {
    %c0_i32 = arith.constant 0 : i32
    %c0_i32_0 = arith.constant 0 : i32
    return %c0_i32, %arg0 : i32, i32
  }
  func.func @transform_2(%arg0: i32) -> (i32, i32) {
    %c0_i32 = arith.constant 0 : i32
    %c0_i32_0 = arith.constant 0 : i32
    return %c0_i32, %arg0 : i32, i32
  }
}

</mosaic_0001>

<sc_bundles>
// kernel: sparse-core-data-format-call.cloned.1.call-start
scs
called_computation_lowered:
.L_overlay_start_0:
0x0: {  	s2 =	sld [smem:$0x3FD9]  }
0x1: {  	s3 =	sld [smem:$0x3FFE];
	_ =	sdelay $0x1  }
0x2: {  	s1 =	srdreg.scid  }
0x3: {  	s0 =	sand.u32 $0x1, s1  }
0x4: {  	s18 =	sshll.u32 s0, $0xA;
	s2 =	sadd.s32 s3, s2  }
0x5: {  	s2 =	sadd.s32 s2, s18  }
0x6: {  	[smem:$0x3FC5] =	sst s2  }
0x7: {  	_ = 	snop  }
0x8: {  	s2 =	sld [smem:$0x3FD0];
	(tm) =	ssettm $0x1  }
0x9: {  	s19 =	sld [smem:$0x3FFB];
	_ =	sdelay $0x3  }
0xa: {  	_ =	strace s19  }
0xb: {  	s3 =	sld [smem:$0x3FFC];
	_ =	sdelay $0x3  }
0xc: {  	_ =	strace s3  }
0xd: {  	s3 =	sld [smem:$0x3FFD];
	_ =	sdelay $0x3  }
0xe: {  	_ =	strace s3  }
0xf: {  	_ =	strace $0x8FFFFFFF  }
0x10: {  	s20 =	sld [smem:$0x3FDB];
	_ =	sdelay $0x1  }
0x11: {  	s4 =	simm.s32 $_scs_section_size  }
0x12: {  	s5 =	simm.s32 $_size__tile_overlayer_lowered;
	s6 =	simm.s32 $_tile_overlayer_lowered  }
0x13: {  	s23 =	simm.s32 $0x1BFF;
	s22 =	sshll.u32 s6, $0x1;
	s3 =	sadd.s32 s4, s20  }
0x14: {  	s7 =	simm.s32 $0x0;
	s21 =	sshll.u32 s5, $0x1;
	s5 =	sadd.s32 s22, s3  }
0x15: {  	[timem:s7], [sflag:s23] =	dma.local [hbm:s5], s21  }
0x16: {  	_ =	swait.ge [sflag:s23], s21  }
0x17: {  	s4 =	ssub.s32 $0x0, s21;
	[sflag:s23] =	ssyncset.done $0x0  }
0x18: {  	[sflag:s23] =	ssyncadd.s32 s4;
	_ =	sdelay $0x1  }
0x19: {  	s24 =	simm.s32 $0x1B8B  }
0x1a: {  	_ =	swait.ge [sflag:s24], $0x1  }
0x1b: {  	[sflag:s24] =	ssyncset.done $0x0  }
0x1c: {  	s26 =	simm.s32 $0x1B8E;
	s25 =	sld [smem:$0x3FFE];
	[sflag:s24] =	ssyncadd.s32 $0xFFFFFFFF  }
0x1d: {  	s27 =	simm.s32 $execute0_lowered;
	[smem:$0x3FD2] =	sst s26  }
0x1e: {  	s5 =	sshll.u32 s27, $0x1;
	_ =	strace $0x80000046;
	[dreg:$0x1] =	wrdreg $0xFFFFFFFF  }
0x1f: {  	s28 =	simm.s32 $_size_execute0_lowered;
	s3 =	sadd.s32 s3, s5;
	[dreg:$0x0] =	wrdreg $0x0  }
0x20: {  	s5 =	sshll.u32 s28, $0x1;
	[dreg:$0x2] =	wrdreg s3  }
0x21: {  	[dreg:$0x3] =	wrdreg s5  }
0x22: {  	[dreg:$0x4] =	wrdreg $0xC0  }
0x23: {  	_ =	task [dreg:s7], $0x5FFFF  }
0x24: {  	[dreg:$0x1] =	wrdreg $0xFFFFFFFF  }
0x25: {  	[dreg:$0x0] =	wrdreg $0x60  }
0x26: {  	[dreg:$0x2] =	wrdreg s25  }
0x27: {  	[dreg:$0x3] =	wrdreg s2  }
0x28: {  	[dreg:$0x4] =	wrdreg $0x9  }
0x29: {  	_ =	task.clear_ibuf [dreg:s7], $0x5FFFF;
	_ =	strace $0x90000046  }
0x2a: {  	s29 =	simm.s32 $0x9;
	_ =	strace $0x80000048  }
0x2b: {  	_ =	swait.ge [sflag:s29], $0x1  }
0x2c: {  	[sflag:s29] =	ssyncadd.s32 $0xFFFFFFFF  }
0x2d: {  	_ =	strace $0x90000048  }
0x2e: {  	_ =	sfence  }
0x2f: {  	s30 =	sld [smem:$0x0];
	_ =	sdelay $0x2  }
0x30: {  	s31 =	sshll.u32 s1, $0xD;
	s1 =	sshrl.u32 s1, $0x2  }
0x31: {  	s3 =	sand.u32 $0x4000, s31;
	s1 =	sadd.s32 s1, s30  }
0x32: {  	s0 =	sor.u32 s3, s0;
	s1 =	sshll.u32 s1, $0x11  }
0x33: {  	s0 =	sor.u32 s1, s0  }
0x34: {  	s0 =	sadd.s32 $0x8F2B, s0  }
0x35: {  	[sflag:s0] =	ssyncadd.remote.s32 $0x1  }
0x36: {  	_ =	sfence.sel $0xFFFF  }
0x37: {  	[dreg:$0x0] =	wrdreg $0xFFFFFFFF;
	(pc) =	sbr.abs _section_cstart, $3  }
0x38: {  	[dreg:$0x1] =	wrdreg $0xFFFFFFFF  }
0x39: {  	_ =	task.clear_ibuf [dreg:s7], $0x2FFFF;
	_ =	strace $0x9FFFFFFF  }
0x3a: {  	(tm) =	ssettm $0x7FFFFFFF  }
0x3b: {  	_ =	shalt  }
tec
execute0_lowered:
.L_overlay_start_1:
0x0: {  	(tag) =	ssettag $0x1  }
0x1: {  	s4 =	rddreg [dreg:$0x0]  }
0x2: {  	s0 =	stileid.u32;
	s2 =	rddreg [dreg:$0x1]  }
0x3: {  	s1 =	rddreg [dreg:$0x2];
	_ =	strace $0x80000047;
	s5 =	srdreg.scid  }
0x4: {  	s31 =	simm.s32 $0x2;
	s14 =	simm.s32 $0x0;
	s9 =	simm.s32 $0x8000  }
0x5: {  	s16 =	simm.s32 $0x0;
	s15 =	simm.s32 $0x0;
	s3 =	sshll.u32 s0, $0x7  }
0x6: {  	s10 =	simm.s32 $0x0;
	s5 =	sshll.u32 s5, $0x4;
	s3 =	sand.u32 $0x380, s3  }
0x7: {  	s13 =	simm.s32 $0x0;
	s5 =	sand.u32 $0x10, s5;
	s6 =	ssub.s32 $0x400, s3  }
0x8: {  	s4 =	sadd.s32 $0x400, s4;
	s5 =	sor.u32 s0, s5;
	s7 =	sand.u32 $0x380, s6  }
.Ltmp0:
0x9: {  	p0 =	sne.s32 s7, $0x0;
	s7 =	simm.s32 $0x1;
	(pc) =	sbr.rel .LBB1_1-.Ltmp0, $4  }
0xa: {  	s12 =	smov.u32 s3;
	s8 =	sshrl.u32 s6, $0xA;
	s7 =	simm.s32 @!p0 $0x0  }
0xb: {  	s5 =	sshrl.u32 s5, $0x3;
	s6 =	simm.s32 $0x1;
	s7 =	sadd.s32 s7, s8  }
0xc: {  	[sflag:s6] =	ssyncpa.u1 $0x0;
	s11 =	smov.u32 s5;
	s7 =	sshll.u32 s7, $0x6  }
0xd: {  	[sflag:s31] =	ssyncpa.u1 $0x0;
	p0 =	por $0x0, $0x0;
	s8 =	sor.u32 $0x1, s7  }
.LBB1_4:
0xe: {  	v5 =	vld [tilespmem:s20+$0xFFFFFFD0];
	[tilespmem:s19+$0x2040 ss:$0x81] =	vst.msk $0xffff, v1  }
0xf: {  	v58 =	vld [tilespmem:s20+$0xFFFFFFE0];
	[tilespmem:s19+$0x2850 ss:$0x81] =	vst.msk $0xffff, v2  }
0x10: {  	s21 =	sshra.s32 s21, $0x2;
	v59 =	vld [tilespmem:s20+$0xFFFFFFF0];
	[tilespmem:s19+$0x3060 ss:$0x81] =	vst.msk $0xffff, v3  }
0x11: {  	v60 =	vld [tilespmem:s20+$0x0];
	[tilespmem:s19+$0x0 ss:$0x81] =	vst.msk $0xffff, v0;
	s18 =	sadd.s32 s21, s18  }
0x12: {  	v61 =	vld [tilespmem:s20+$0x10];
	[tilespmem:s18+$0x3870 ss:$0x81] =	vst.msk $0xffff, v4  }
0x13: {  	v62 =	vld [tilespmem:s20+$0x20];
	s26 =	sshll.u32 s16, $0xA;
	s27 =	sshll.u32 s15, $0x3;
	[tilespmem:s18+$0x810 ss:$0x81] =	vst.msk $0xffff, v5  }
0x14: {  	v63 =	vld [tilespmem:s20+$0xFFFFFFC0];
	s29 =	sshll.u32 s16, $0x7;
	s30 =	sand.u32 $0x78, s15;
	s14 =	sshll.u32 s14, $0xC;
	[tilespmem:s18+$0x1020 ss:$0x81] =	vst.msk $0xffff, v58  }
0x15: {  	s19 =	sand.u32 $0x6000, s26;
	s28 =	sand.u32 $0x7C00, s27;
	s16 =	sand.u32 $0x380, s29;
	[tilespmem:s18+$0x1830 ss:$0x81] =	vst.msk $0xffff, v59  }
0x16: {  	s31 =	sand.u32 $0x7, s15;
	s19 =	sadd.s32 s28, s19;
	s16 =	sor.u32 s30, s16;
	[tilespmem:s18+$0x2040 ss:$0x81] =	vst.msk $0xffff, v60  }
0x17: {  	s14 =	sadd.s32 s2, s14;
	s19 =	sshrl.u32 s19, $0x3;
	s16 =	sshrl.u32 s16, $0x3;
	[tilespmem:s18+$0x2850 ss:$0x81] =	vst.msk $0xffff, v61  }
0x18: {  	s15 =	sshll.u32 s31, $0x12;
	s19 =	sand.u32 $0xF80, s19;
	s14 =	sadd.s32 s16, s14;
	[tilespmem:s18+$0x3060 ss:$0x81] =	vst.msk $0xffff, v62  }
0x19: {  	s15 =	sor.u32 $0x80, s15;
	[tilespmem:s18+$0x0 ss:$0x81] =	vst.msk $0xffff, v63;
	s14 =	sadd.s32 s19, s14  }
0x1a: {  	[hbm4b:s14+s15] =	stream.strided.scatter [tilespmem:s17], [sflag:$0x2], $0x4000, s9, s15, $0x20;
	[tilespmem:$0x10100] =	vst v63  }
.LBB1_5:
0x1b: {  	s17 =	sadd.s32 $0x80, s10  }
0x1c: {  	s14 =	sadd.s32 $0x4, s11;
	s18 =	smov.u32 s11;
	p2 =	sgt.s32 s17, $0x3FF  }
0x1d: {  	s18 =	smov.u32 @p2 s14  }
0x1e: {  	s20 =	smov.u32 s12;
	s14 =	sadd.s32 $0x400, s12;
	p3 =	sgt.s32 s18, $0x1F  }
0x1f: {  	s20 =	smov.u32 @p3 s14  }
0x20: {  	s17 =	simm.s32 @p2 $0x0;
	p2 =	sgt.s32 s20, $0x3FF  }
0x21: {  	p1 =	slt.u32 s13, $0x2;
	s20 =	smov.u32 @p2 s3;
	p2 =	sne.s32 s13, s8  }
.Ltmp1:
0x22: {  	s19 =	simm.s32 @!p1 $0x2;
	(pc) =	sbr.rel @!p2 .LBB1_6-.Ltmp1, $4  }
0x23: {  	s16 =	smov.u32 s11;
	s15 =	smov.u32 s12;
	_ =	swait.ge @!p1 [sflag:s19], $0x4000  }
0x24: {  	p0 =	por !p0, !p0;
	[sflag:s19] =	ssyncset.done @!p1 $0x0;
	s18 =	smov.u32 @p3 s5  }
0x25: {  	s14 =	smov.u32 s10;
	[sflag:s19] =	ssyncadd.s32 @!p1 $0xFFFFC000;
	s10 =	smov.u32 s17  }
0x26: {  	s11 =	smov.u32 s18;
	s13 =	sadd.s32 $0x1, s13;
	s12 =	smov.u32 s20  }
.LBB1_1:
0x27: {  	p1 =	sge.u32 s13, s7  }
0x28: {  	s31 =	sadd.s32 $0xFFFFFFFF, s13;
	s17 =	sshll.u32 @!p1 s11, $0x7  }
0x29: {  	s18 =	sxor.u32 @!p1 $0xFFFFFFFF, s13;
	s19 =	sand.u32 @!p1 $0x78, s10;
	s20 =	sand.u32 @!p1 $0x380, s17  }
0x2a: {  	s18 =	sshll.u32 @!p1 s18, $0xE;
	s19 =	sor.u32 @!p1 s19, s20;
	s20 =	sshll.u32 @!p1 s12, $0xC  }
0x2b: {  	s17 =	sand.u32 @!p1 $0xC00, s17;
	s19 =	sshrl.u32 @!p1 s19, $0x3;
	s20 =	sadd.s32 @!p1 s4, s20  }
0x2c: {  	s17 =	sadd.s32 @!p1 s10, s17;
	s19 =	sadd.s32 @!p1 s19, s20;
	s20 =	sand.u32 @!p1 $0x7, s10  }
0x2d: {  	s18 =	sand.u32 @!p1 $0x4000, s18;
	s17 =	sand.u32 @!p1 $0xF80, s17;
	s20 =	sshll.u32 @!p1 s20, $0x12  }
0x2e: {  	s17 =	sadd.s32 @!p1 s17, s19;
	s19 =	sor.u32 @!p1 $0x80, s20;
	s20 =	simm.s32 @!p1 $0x8000  }
0x2f: {  	[tilespmem:s18], [sflag:$0x1] =	stream.strided.gather @!p1 [hbm4b:s17+s19], $0x4000, s20, s19, $0x38;
	[tilespmem:$0x10100] =	vst v63  }
0x30: {  	p1 =	sge.u32 s31, s7  }
.Ltmp2:
0x31: {  	_ = 	snop;
	(pc) =	sbr.rel @p1 .LBB1_5-.Ltmp2, $1  }
0x32: {  	_ =	sdelay $0x3  }
0x33: {  	s17 =	simm.s32 $0x1  }
0x34: {  	_ =	swait.ge [sflag:s6], $0x4000;
	s17 =	simm.s32 @!p0 $0x0  }
0x35: {  	[sflag:s6] =	ssyncset.done $0x0;
	s18 =	sshll.u32 s17, $0xE  }
0x36: {  	[sflag:s6] =	ssyncadd.s32 $0xFFFFC000;
	s20 =	sor.u32 $0x40, s18  }
0x37: {  	s17 =	smul.u32 $0x10200, s17;
	v0 =	vld [tilespmem:s20+$0x30]  }
0x38: {  	v3 =	vld [tilespmem:s20+$0xFFFFFFD0]  }
0x39: {  	s17 =	sshrl.u32 s17, $0x2;
	v4 =	vld [tilespmem:s20+$0xFFFFFFE0]  }
0x3a: {  	v5 =	vld [tilespmem:s20+$0xFFFFFFF0];
	s18 =	sor.u32 $0x8000, s17  }
0x3b: {  	s31 =	sand.u32 $0x1, s13;
	v1 =	vld [tilespmem:s20+$0x0];
	s19 =	sadd.s32 $0x0, s18  }
0x3c: {  	v2 =	vld [tilespmem:s20+$0x10];
	s17 =	smul.u32 $0x10200, s31;
	[tilespmem:s19+$0x3870 ss:$0x81] =	vst.msk $0xffff, v0  }
0x3d: {  	[tilespmem:s19+$0x810 ss:$0x81] =	vst.msk $0xffff, v3;
	v3 =	vld [tilespmem:s20+$0x20]  }
0x3e: {  	s17 =	sshrl.u32 s17, $0x2;
	v0 =	vld [tilespmem:s20+$0xFFFFFFC0];
	[tilespmem:s19+$0x1020 ss:$0x81] =	vst.msk $0xffff, v4;
	s20 =	sadd.s32 $0x80, s20  }
0x3f: {  	s21 =	simm.s32 $0x4;
	s22 =	simm.s32 $0x8;
	s17 =	sor.u32 $0x8000, s17;
	[tilespmem:s19+$0x1830 ss:$0x81] =	vst.msk $0xffff, v5;
	v4 =	vld [tilespmem:s20+$0x30]  }
.LBB1_3:
0x40: {  	p1 =	sne.s32 s22, $0x1FC;
	v5 =	vld [tilespmem:s20+$0xFFFFFFD0];
	[tilespmem:s19+$0x2040 ss:$0x81] =	vst.msk $0xffff, v1  }
0x41: {  	v6 =	vld [tilespmem:s20+$0xFFFFFFE0];
	[tilespmem:s19+$0x2850 ss:$0x81] =	vst.msk $0xffff, v2  }
0x42: {  	s23 =	sshra.s32 s21, $0x2;
	s21 =	smov.u32 s22;
	v7 =	vld [tilespmem:s20+$0xFFFFFFF0];
	[tilespmem:s19+$0x3060 ss:$0x81] =	vst.msk $0xffff, v3  }
.Ltmp3:
0x43: {  	v1 =	vld [tilespmem:s20+$0x0];
	[tilespmem:s19+$0x0 ss:$0x81] =	vst.msk $0xffff, v0;
	s19 =	sadd.s32 s23, s18;
	(pc) =	sbr.rel @p1 .LBB1_3-.Ltmp3, $4  }
0x44: {  	v2 =	vld [tilespmem:s20+$0x10];
	[tilespmem:s19+$0x3870 ss:$0x81] =	vst.msk $0xffff, v4  }
0x45: {  	[tilespmem:s19+$0x810 ss:$0x81] =	vst.msk $0xffff, v5;
	v3 =	vld [tilespmem:s20+$0x20]  }
0x46: {  	v0 =	vld [tilespmem:s20+$0xFFFFFFC0];
	[tilespmem:s19+$0x1020 ss:$0x81] =	vst.msk $0xffff, v6;
	s20 =	sadd.s32 $0x80, s20  }
0x47: {  	s22 =	sadd.s32 $0x4, s22;
	v4 =	vld [tilespmem:s20+$0x30];
	[tilespmem:s19+$0x1830 ss:$0x81] =	vst.msk $0xffff, v7  }
.Ltmp4:
0x48: {  	_ = 	snop;
	(pc) =	sbr.rel .LBB1_4-.Ltmp4, $1  }
0x49: {  	_ =	sdelay $0x3  }
.LBB1_6:
0x4a: {  	_ =	sfence.sel $0x180000  }
0x4b: {  	s2 =	simm.s32 $0x1;
	[bflag:$0x0] =	sbarrier.arrive $0xFFFF  }
0x4c: {  	s31 =	simm.s32 $0x2;
	[sflag:s2] =	ssyncpa.u1 $0x1  }
0x4d: {  	[sflag:s31] =	ssyncpa.u1 $0x1  }
0x4e: {  	p0 =	sne.s32 s0, $0x0;
	_ =	strace $0x90000047  }
0x4f: {  	s0 =	sadd.s32 @!p0 $0x100000, s1;
	[bflag:$0x2] =	sbarrier.arrive $0xFFFF  }
0x50: {  	[sflag:s0] =	ssyncadd.tile.s32 @!p0 $0x1;
	_ =	shalt  }
.Lfunc_end1:
_tile_overlayer_lowered:
.L_overlay_start_2:
0x51: {  	(tag) =	ssettag $0x2  }
0x52: {  	s0 =	rddreg [dreg:$0x0];
	s2 =	stileid.u32  }
0x53: {  	s1 =	rddreg [dreg:$0x1];
	p0 =	sne.s32 s2, $0x0  }
0x54: {  	s3 =	rddreg [dreg:$0x2];
	[bflag:$0x3] =	sbarrier.arrive $0xFFFF;
	s2 =	simm.s32 @!p0 $0x1C01  }
0x55: {  	[timem:s3], [sflag:s2] =	dma.local @!p0 [hbm:s0], s1  }
0x56: {  	s0 =	simm.s32 @!p0 $0x1  }
0x57: {  	_ =	swait.ge @!p0 [sflag:s0], s1  }
0x58: {  	s1 =	ssub.s32 @!p0 $0x0, s1;
	[sflag:s0] =	ssyncset.done @!p0 $0x0  }
0x59: {  	[sflag:s0] =	ssyncadd.s32 @!p0 s1  }
0x5a: {  	[bflag:$0x3] =	sbarrier.arrive $0xFFFF  }
0x5b: {  	_ =	shalt  }

</sc_bundles>
